<compile_context>
chip_gen: v7x
topology: tpu7x:2x2x1
jax: 0.10.2.dev20260603
libtpu: 0.0.44.dev20260713+nightly
codegen_flags: <defaults>
</compile_context>

<pallas_src>
import functools

import jax
import jax.numpy as jnp
from jax import lax
from jax.experimental import pallas as pl
from jax.experimental.pallas import tpu as pltpu
from jax.experimental.pallas import tpu_sc as plsc

_L = 16


def _gather_rows(table, vert_idx, V, K):
    B = table.shape[1]
    n_rows = 3 * K
    info = plsc.get_sparse_core_info()
    NC = info.num_cores
    NW = NC * info.num_subcores

    mesh = plsc.VectorSubcoreMesh(core_axis_name="c", subcore_axis_name="s")

    @functools.partial(
        pl.kernel,
        mesh=mesh,
        out_type=jax.ShapeDtypeStruct((3, K, B), jnp.float32),
        scratch_types=[
            pltpu.VMEM((K,), jnp.int32),
            pltpu.VMEM((8,), jnp.int32),
            pltpu.VMEM((8, B), jnp.float32),
            pltpu.SemaphoreType.DMA,
            pltpu.SemaphoreType.DMA,
        ],
        compiler_params=pltpu.CompilerParams(needs_layout_passes=False),
    )
    def gather_kernel(table_hbm, vidx_hbm, out_hbm, vidx_v, rid_v, buf_v, gsem, wsem):
        wid = lax.axis_index("s") * NC + lax.axis_index("c")
        start = 4 * wid + jnp.minimum(wid, 10)
        count = 4 + (wid < 10).astype(jnp.int32)

        pltpu.sync_copy(vidx_hbm, vidx_v)

        lanes = lax.iota(jnp.int32, _L)
        p = jnp.clip(start + lanes, 0, n_rows - 1)
        c = p // K
        i = p - c * K
        rid = c * V + plsc.load_gather(vidx_v, [i])
        plsc.store_scatter(rid_v, [lanes], rid, mask=lanes < 8)

        pltpu.async_copy(table_hbm.at[rid_v], buf_v, gsem).wait()

        def fire(n, carry):
            r = start + n
            cc = r // K
            ii = r - cc * K
            pltpu.make_async_copy(buf_v.at[n], out_hbm.at[cc, ii], wsem).start()
            return carry

        lax.fori_loop(0, count, fire, 0, unroll=False)

        def drain(n, carry):
            r = start + n
            cc = r // K
            ii = r - cc * K
            pltpu.make_async_copy(buf_v.at[n], out_hbm.at[cc, ii], wsem).wait()
            return carry

        lax.fori_loop(0, count, drain, 0, unroll=False)

    return gather_kernel(table, vert_idx)


def kernel(vertices, vert_idx):
    B, V, C = vertices.shape
    K = vert_idx.shape[0]
    assert C == 3 and K == 46 and B % 128 == 0 and V % 8 == 0

    vt = jnp.transpose(vertices, (2, 1, 0))
    table = vt.reshape(C * V, B)
    out_t = _gather_rows(table, vert_idx.astype(jnp.int32), V, K)
    return jnp.transpose(out_t, (2, 1, 0))

# --- scband reference (transcript-rebuilt; emitter-appended) ---
"""Pipeline reference for scband-shadow-anchor-16363825398502 (READ-ONLY COPY).

The authoritative reference and input builder live on the scoring server;
editing this copy changes nothing except your own understanding.
"""

import jax, jax.numpy as jnp
import numpy as np

VERT_IDX = np.array([1369, 1551, 1569, 1655, 1584, 922, 998, 1707, 1861, 2019, 2020, 2005, 167, 2068, 2222, 2380, 2381, 2366, 562, 1132, 2429, 2583, 2741, 2742, 2727, 2961, 960, 3050, 3204, 3362, 3363, 3348, 1865, 1838, 1848, 1837, 2226, 2199, 2209, 2198, 2587, 2560, 2570, 2559, 3208, 3181], dtype=np.int64)


def setup_inputs(seed: int = 0) -> dict:
    key = jax.random.key(seed)
    vertices = jax.random.normal(key, (4096, 4040, 3), dtype=jnp.float32)
    vert_idx = jnp.asarray(VERT_IDX, dtype=jnp.int64)
    return {"vertices": vertices, "vert_idx": vert_idx}


def reference(vertices, vert_idx):
    # anchor_pos = vertices[:, vert_idx, :]
    anchor_pos = jnp.take(vertices, vert_idx, axis=1)
    return anchor_pos

if __name__ == "__main__":
    import jax
    _d = setup_inputs()
    print(jax.jit(kernel)(*tuple(_d.values())))

</pallas_src>

<mosaic_0001>
#map = affine_map<(d0, d1) -> (0, 0)>
#map1 = affine_map<(d0, d1) -> (0)>
#map2 = affine_map<(d0, d1) -> (0, 0, 0)>
module attributes {stable_mosaic.version = 14 : i64} {
  func.func @gather_kernel(%arg0: i32, %arg1: i32, %arg2: memref<12120x4096xf32, #tpu.memory_space<hbm>>, %arg3: memref<46xi32, #tpu.memory_space<hbm>>, %arg4: memref<3x46x4096xf32, #tpu.memory_space<hbm>>, %arg5: memref<46xi32, #tpu.memory_space<vmem>>, %arg6: memref<8xi32, #tpu.memory_space<vmem>>, %arg7: memref<8x4096xf32, #tpu.memory_space<vmem>>, %arg8: memref<!tpu.dma_semaphore, #tpu.memory_space<semaphore_mem>>, %arg9: memref<!tpu.dma_semaphore, #tpu.memory_space<semaphore_mem>>) attributes {dimension_semantics = [#tpu.dimension_semantics<core_parallel>, #tpu.dimension_semantics<subcore_parallel>], iteration_bounds = array<i64: 2, 16>, scalar_prefetch = 0 : i64, scratch_operands = 5 : i64, tpu.core_type = #tpu.core_type<sc_vector_subcore>, window_params = [{transform_indices = #map}, {transform_indices = #map1}, {transform_indices = #map2}]} {
    %mul3A = arith.constant 2 : i32
    %mul3A_0 = arith.muli %arg1, %mul3A : i32
    %add3A = arith.addi %mul3A_0, %arg0 : i32
    %mul3A_1 = arith.constant 4 : i32
    %mul3A_2 = arith.muli %mul3A_1, %add3A : i32
    %min3A = arith.constant 10 : i32
    %min3A_3 = arith.minsi %add3A, %min3A : i32
    %add3A_4 = arith.addi %mul3A_2, %min3A_3 : i32
    %lt3A = arith.constant 10 : i32
    %lt3A_5 = arith.cmpi slt, %add3A, %lt3A : i32
    %convert_element_type3A = arith.extui %lt3A_5 : i1 to i32
    %add3A_6 = arith.constant 4 : i32
    %add3A_7 = arith.addi %add3A_6, %convert_element_type3A : i32
    "tpu.region"() ({
      %run_scoped3A = tpu.sem_alloc : memref<!tpu.dma_semaphore, #tpu.memory_space<semaphore_mem>>
      tpu.enqueue_dma source(%arg3 : memref<46xi32, #tpu.memory_space<hbm>>) target(%arg5 : memref<46xi32, #tpu.memory_space<vmem>>) target_semaphore(%run_scoped3A : memref<!tpu.dma_semaphore, #tpu.memory_space<semaphore_mem>>)
      tpu.wait_dma2 semaphore(%run_scoped3A : memref<!tpu.dma_semaphore, #tpu.memory_space<semaphore_mem>>) src(%arg3 : memref<46xi32, #tpu.memory_space<hbm>>) dst(%arg5 : memref<46xi32, #tpu.memory_space<vmem>>)
      tpu.yield
    }) : () -> ()
    %iota3A = tpu.iota {dimensions = array<i32: 0>} : vector<16xi32>
    %add3A_8 = vector.broadcast %add3A_4 : i32 to vector<16xi32>
    %add3A_9 = arith.addi %add3A_8, %iota3A : vector<16xi32>
    %jit3A = arith.constant 0 : i32
    %jit3A_10 = arith.constant 137 : i32
    %max3A = vector.broadcast %jit3A : i32 to vector<16xi32>
    %max3A_11 = arith.maxsi %max3A, %add3A_9 : vector<16xi32>
    %min3A_12 = vector.broadcast %jit3A_10 : i32 to vector<16xi32>
    %min3A_13 = arith.minsi %min3A_12, %max3A_11 : vector<16xi32>
    %jit3A_14 = arith.constant 46 : i32
    %div3A = vector.broadcast %jit3A_14 : i32 to vector<16xi32>
    %div3A_15 = arith.divsi %min3A_13, %div3A : vector<16xi32>
    %sign3A = arith.constant 0 : i32
    %sign3A_16 = vector.broadcast %sign3A : i32 to vector<16xi32>
    %sign3A_17 = arith.cmpi sgt, %min3A_13, %sign3A_16 : vector<16xi32>
    %sign3A_18 = arith.extui %sign3A_17 : vector<16xi1> to vector<16xi32>
    %sign3A_19 = arith.constant 0 : i32
    %sign3A_20 = vector.broadcast %sign3A_19 : i32 to vector<16xi32>
    %sign3A_21 = arith.cmpi slt, %min3A_13, %sign3A_20 : vector<16xi32>
    %sign3A_22 = arith.extui %sign3A_21 : vector<16xi1> to vector<16xi32>
    %sign3A_23 = arith.subi %sign3A_18, %sign3A_22 : vector<16xi32>
    %sign3A_24 = arith.constant 0 : i32
    %sign3A_25 = arith.cmpi sgt, %jit3A_14, %sign3A_24 : i32
    %sign3A_26 = arith.extui %sign3A_25 : i1 to i32
    %sign3A_27 = arith.constant 0 : i32
    %sign3A_28 = arith.cmpi slt, %jit3A_14, %sign3A_27 : i32
    %sign3A_29 = arith.extui %sign3A_28 : i1 to i32
    %sign3A_30 = arith.subi %sign3A_26, %sign3A_29 : i32
    %ne3A = vector.broadcast %sign3A_30 : i32 to vector<16xi32>
    %ne3A_31 = arith.cmpi ne, %sign3A_23, %ne3A : vector<16xi32>
    %rem3A = vector.broadcast %jit3A_14 : i32 to vector<16xi32>
    %rem3A_32 = arith.remsi %min3A_13, %rem3A : vector<16xi32>
    %ne3A_33 = arith.constant 0 : i32
    %ne3A_34 = vector.broadcast %ne3A_33 : i32 to vector<16xi32>
    %ne3A_35 = arith.cmpi ne, %rem3A_32, %ne3A_34 : vector<16xi32>
    %and3A = arith.andi %ne3A_31, %ne3A_35 : vector<16xi1>
    %sub3A = arith.constant 1 : i32
    %sub3A_36 = vector.broadcast %sub3A : i32 to vector<16xi32>
    %sub3A_37 = arith.subi %div3A_15, %sub3A_36 : vector<16xi32>
    %select_n3A = arith.select %and3A, %sub3A_37, %div3A_15 : vector<16xi1>, vector<16xi32>
    %mul3A_38 = arith.constant 46 : i32
    %mul3A_39 = vector.broadcast %mul3A_38 : i32 to vector<16xi32>
    %mul3A_40 = arith.muli %select_n3A, %mul3A_39 : vector<16xi32>
    %sub3A_41 = arith.subi %min3A_13, %mul3A_40 : vector<16xi32>
    %mul3A_42 = arith.constant 4040 : i32
    %mul3A_43 = vector.broadcast %mul3A_42 : i32 to vector<16xi32>
    %mul3A_44 = arith.muli %select_n3A, %mul3A_43 : vector<16xi32>
    %gather3A = tpu.vector_load_idx %arg5[%sub3A_41] : memref<46xi32, #tpu.memory_space<vmem>>[vector<16xi32>], vector<16xi32>,
    %add3A_45 = arith.addi %mul3A_44, %gather3A : vector<16xi32>
    %lt3A_46 = arith.constant 8 : i32
    %lt3A_47 = vector.broadcast %lt3A_46 : i32 to vector<16xi32>
    %lt3A_48 = arith.cmpi slt, %iota3A, %lt3A_47 : vector<16xi32>
    tpu.vector_store_idx %arg6[%iota3A], %add3A_45 masked %lt3A_48 : memref<8xi32, #tpu.memory_space<vmem>>[vector<16xi32>], vector<16xi32>, vector<16xi1>
    %dma_start3A = arith.constant 0 : i32
    %dma_start3A_49 = arith.constant 0 : i32
    %dma_start3A_50 = tpu.memref_slice %arg2[%dma_start3A, %dma_start3A_49] : memref<12120x4096xf32, #tpu.memory_space<hbm>> -> memref<12120x4096xf32, #tpu.memory_space<hbm>>
    tpu.enqueue_indirect_dma source(%dma_start3A_50 : memref<12120x4096xf32, #tpu.memory_space<hbm>>) target(%arg7 : memref<8x4096xf32, #tpu.memory_space<vmem>>) offsets(%arg6 : memref<8xi32, #tpu.memory_space<vmem>>) semaphore(%arg8 : memref<!tpu.dma_semaphore, #tpu.memory_space<semaphore_mem>>)
    %dma_wait3A = arith.constant 0 : i32
    %dma_wait3A_51 = arith.constant 0 : i32
    %dma_wait3A_52 = tpu.memref_slice %arg2[%dma_wait3A, %dma_wait3A_51] : memref<12120x4096xf32, #tpu.memory_space<hbm>> -> memref<12120x4096xf32, #tpu.memory_space<hbm>>
    tpu.wait_indirect_dma semaphore(%arg8 : memref<!tpu.dma_semaphore, #tpu.memory_space<semaphore_mem>>) src(%dma_wait3A_52 : memref<12120x4096xf32, #tpu.memory_space<hbm>>) dst(%arg7 : memref<8x4096xf32, #tpu.memory_space<vmem>>)
    %while3A = arith.constant 0 : i32
    %while3A_53 = arith.constant 0 : i32
    %while3A_54 = arith.subi %add3A_7, %while3A_53 : i32
    %while3A_55 = arith.addi %while3A_53, %while3A_54 : i32
    %while3A_56 = arith.constant 1 : i32
    %while3A_57 = arith.divsi %while3A_54, %while3A_56 : i32
    %while3A_58 = arith.muli %while3A_57, %while3A_56 : i32
    %while3A_59 = arith.addi %while3A_53, %while3A_58 : i32
    %while3A_60 = arith.constant 1 : i32
    scf.for %while3A_72 = %while3A_53 to %while3A_59 step %while3A_60  : i32 {
      %add3A_73 = arith.addi %add3A_4, %while3A_72 : i32
      %jit3A_74 = arith.constant 46 : i32
      %div3A_75 = arith.divsi %add3A_73, %jit3A_74 : i32
      %sign3A_76 = arith.constant 0 : i32
      %sign3A_77 = arith.cmpi sgt, %add3A_73, %sign3A_76 : i32
      %sign3A_78 = arith.extui %sign3A_77 : i1 to i32
      %sign3A_79 = arith.constant 0 : i32
      %sign3A_80 = arith.cmpi slt, %add3A_73, %sign3A_79 : i32
      %sign3A_81 = arith.extui %sign3A_80 : i1 to i32
      %sign3A_82 = arith.subi %sign3A_78, %sign3A_81 : i32
      %sign3A_83 = arith.constant 0 : i32
      %sign3A_84 = arith.cmpi sgt, %jit3A_74, %sign3A_83 : i32
      %sign3A_85 = arith.extui %sign3A_84 : i1 to i32
      %sign3A_86 = arith.constant 0 : i32
      %sign3A_87 = arith.cmpi slt, %jit3A_74, %sign3A_86 : i32
      %sign3A_88 = arith.extui %sign3A_87 : i1 to i32
      %sign3A_89 = arith.subi %sign3A_85, %sign3A_88 : i32
      %ne3A_90 = arith.cmpi ne, %sign3A_82, %sign3A_89 : i32
      %rem3A_91 = arith.remsi %add3A_73, %jit3A_74 : i32
      %ne3A_92 = arith.constant 0 : i32
      %ne3A_93 = arith.cmpi ne, %rem3A_91, %ne3A_92 : i32
      %and3A_94 = arith.andi %ne3A_90, %ne3A_93 : i1
      %sub3A_95 = arith.constant 1 : i32
      %sub3A_96 = arith.subi %div3A_75, %sub3A_95 : i32
      %select_n3A_97 = arith.select %and3A_94, %sub3A_96, %div3A_75 : i32
      %mul3A_98 = arith.constant 46 : i32
      %mul3A_99 = arith.muli %select_n3A_97, %mul3A_98 : i32
      %sub3A_100 = arith.subi %add3A_73, %mul3A_99 : i32
      %dma_start3A_101 = arith.constant 0 : i32
      %dma_start3A_102 = tpu.memref_slice %arg7[%while3A_72, %dma_start3A_101] : memref<8x4096xf32, #tpu.memory_space<vmem>> -> memref<1x4096xf32, #tpu.memory_space<vmem>>
      %dma_start3A_103 = tpu.memref_squeeze %dma_start3A_102 : memref<1x4096xf32, #tpu.memory_space<vmem>> -> memref<4096xf32, #tpu.memory_space<vmem>>
      %dma_start3A_104 = arith.constant 0 : i32
      %dma_start3A_105 = tpu.memref_slice %arg4[%select_n3A_97, %sub3A_100, %dma_start3A_104] : memref<3x46x4096xf32, #tpu.memory_space<hbm>> -> memref<1x1x4096xf32, #tpu.memory_space<hbm>>
      %dma_start3A_106 = tpu.memref_squeeze %dma_start3A_105 : memref<1x1x4096xf32, #tpu.memory_space<hbm>> -> memref<4096xf32, #tpu.memory_space<hbm>>
      %dma_start3A_107 = arith.constant 0 : i32
      %dma_start3A_108 = tpu.memref_slice %arg4[%select_n3A_97, %sub3A_100, %dma_start3A_107] : memref<3x46x4096xf32, #tpu.memory_space<hbm>> -> memref<1x1x4096xf32, #tpu.memory_space<hbm>>
      %dma_start3A_109 = tpu.memref_squeeze %dma_start3A_108 : memref<1x1x4096xf32, #tpu.memory_space<hbm>> -> memref<4096xf32, #tpu.memory_space<hbm>>
      %dma_start3A_110 = arith.constant 0 : i32
      %dma_start3A_111 = tpu.memref_slice %arg7[%while3A_72, %dma_start3A_110] : memref<8x4096xf32, #tpu.memory_space<vmem>> -> memref<1x4096xf32, #tpu.memory_space<vmem>>
      %dma_start3A_112 = tpu.memref_squeeze %dma_start3A_111 : memref<1x4096xf32, #tpu.memory_space<vmem>> -> memref<4096xf32, #tpu.memory_space<vmem>>
      tpu.enqueue_dma source(%dma_start3A_112 : memref<4096xf32, #tpu.memory_space<vmem>>) target(%dma_start3A_109 : memref<4096xf32, #tpu.memory_space<hbm>>) target_semaphore(%arg9 : memref<!tpu.dma_semaphore, #tpu.memory_space<semaphore_mem>>)
    }
    %while3A_61 = arith.constant 1 : i32
    scf.for %while3A_72 = %while3A_59 to %while3A_55 step %while3A_61  : i32 {
      %add3A_73 = arith.addi %add3A_4, %while3A_72 : i32
      %jit3A_74 = arith.constant 46 : i32
      %div3A_75 = arith.divsi %add3A_73, %jit3A_74 : i32
      %sign3A_76 = arith.constant 0 : i32
      %sign3A_77 = arith.cmpi sgt, %add3A_73, %sign3A_76 : i32
      %sign3A_78 = arith.extui %sign3A_77 : i1 to i32
      %sign3A_79 = arith.constant 0 : i32
      %sign3A_80 = arith.cmpi slt, %add3A_73, %sign3A_79 : i32
      %sign3A_81 = arith.extui %sign3A_80 : i1 to i32
      %sign3A_82 = arith.subi %sign3A_78, %sign3A_81 : i32
      %sign3A_83 = arith.constant 0 : i32
      %sign3A_84 = arith.cmpi sgt, %jit3A_74, %sign3A_83 : i32
      %sign3A_85 = arith.extui %sign3A_84 : i1 to i32
      %sign3A_86 = arith.constant 0 : i32
      %sign3A_87 = arith.cmpi slt, %jit3A_74, %sign3A_86 : i32
      %sign3A_88 = arith.extui %sign3A_87 : i1 to i32
      %sign3A_89 = arith.subi %sign3A_85, %sign3A_88 : i32
      %ne3A_90 = arith.cmpi ne, %sign3A_82, %sign3A_89 : i32
      %rem3A_91 = arith.remsi %add3A_73, %jit3A_74 : i32
      %ne3A_92 = arith.constant 0 : i32
      %ne3A_93 = arith.cmpi ne, %rem3A_91, %ne3A_92 : i32
      %and3A_94 = arith.andi %ne3A_90, %ne3A_93 : i1
      %sub3A_95 = arith.constant 1 : i32
      %sub3A_96 = arith.subi %div3A_75, %sub3A_95 : i32
      %select_n3A_97 = arith.select %and3A_94, %sub3A_96, %div3A_75 : i32
      %mul3A_98 = arith.constant 46 : i32
      %mul3A_99 = arith.muli %select_n3A_97, %mul3A_98 : i32
      %sub3A_100 = arith.subi %add3A_73, %mul3A_99 : i32
      %dma_start3A_101 = arith.constant 0 : i32
      %dma_start3A_102 = tpu.memref_slice %arg7[%while3A_72, %dma_start3A_101] : memref<8x4096xf32, #tpu.memory_space<vmem>> -> memref<1x4096xf32, #tpu.memory_space<vmem>>
      %dma_start3A_103 = tpu.memref_squeeze %dma_start3A_102 : memref<1x4096xf32, #tpu.memory_space<vmem>> -> memref<4096xf32, #tpu.memory_space<vmem>>
      %dma_start3A_104 = arith.constant 0 : i32
      %dma_start3A_105 = tpu.memref_slice %arg4[%select_n3A_97, %sub3A_100, %dma_start3A_104] : memref<3x46x4096xf32, #tpu.memory_space<hbm>> -> memref<1x1x4096xf32, #tpu.memory_space<hbm>>
      %dma_start3A_106 = tpu.memref_squeeze %dma_start3A_105 : memref<1x1x4096xf32, #tpu.memory_space<hbm>> -> memref<4096xf32, #tpu.memory_space<hbm>>
      %dma_start3A_107 = arith.constant 0 : i32
      %dma_start3A_108 = tpu.memref_slice %arg4[%select_n3A_97, %sub3A_100, %dma_start3A_107] : memref<3x46x4096xf32, #tpu.memory_space<hbm>> -> memref<1x1x4096xf32, #tpu.memory_space<hbm>>
      %dma_start3A_109 = tpu.memref_squeeze %dma_start3A_108 : memref<1x1x4096xf32, #tpu.memory_space<hbm>> -> memref<4096xf32, #tpu.memory_space<hbm>>
      %dma_start3A_110 = arith.constant 0 : i32
      %dma_start3A_111 = tpu.memref_slice %arg7[%while3A_72, %dma_start3A_110] : memref<8x4096xf32, #tpu.memory_space<vmem>> -> memref<1x4096xf32, #tpu.memory_space<vmem>>
      %dma_start3A_112 = tpu.memref_squeeze %dma_start3A_111 : memref<1x4096xf32, #tpu.memory_space<vmem>> -> memref<4096xf32, #tpu.memory_space<vmem>>
      tpu.enqueue_dma source(%dma_start3A_112 : memref<4096xf32, #tpu.memory_space<vmem>>) target(%dma_start3A_109 : memref<4096xf32, #tpu.memory_space<hbm>>) target_semaphore(%arg9 : memref<!tpu.dma_semaphore, #tpu.memory_space<semaphore_mem>>)
    }
    %while3A_62 = arith.constant 0 : i32
    %while3A_63 = arith.constant 0 : i32
    %while3A_64 = arith.subi %add3A_7, %while3A_63 : i32
    %while3A_65 = arith.addi %while3A_63, %while3A_64 : i32
    %while3A_66 = arith.constant 1 : i32
    %while3A_67 = arith.divsi %while3A_64, %while3A_66 : i32
    %while3A_68 = arith.muli %while3A_67, %while3A_66 : i32
    %while3A_69 = arith.addi %while3A_63, %while3A_68 : i32
    %while3A_70 = arith.constant 1 : i32
    scf.for %while3A_72 = %while3A_63 to %while3A_69 step %while3A_70  : i32 {
      %add3A_73 = arith.addi %add3A_4, %while3A_72 : i32
      %jit3A_74 = arith.constant 46 : i32
      %div3A_75 = arith.divsi %add3A_73, %jit3A_74 : i32
      %sign3A_76 = arith.constant 0 : i32
      %sign3A_77 = arith.cmpi sgt, %add3A_73, %sign3A_76 : i32
      %sign3A_78 = arith.extui %sign3A_77 : i1 to i32
      %sign3A_79 = arith.constant 0 : i32
      %sign3A_80 = arith.cmpi slt, %add3A_73, %sign3A_79 : i32
      %sign3A_81 = arith.extui %sign3A_80 : i1 to i32
      %sign3A_82 = arith.subi %sign3A_78, %sign3A_81 : i32
      %sign3A_83 = arith.constant 0 : i32
      %sign3A_84 = arith.cmpi sgt, %jit3A_74, %sign3A_83 : i32
      %sign3A_85 = arith.extui %sign3A_84 : i1 to i32
      %sign3A_86 = arith.constant 0 : i32
      %sign3A_87 = arith.cmpi slt, %jit3A_74, %sign3A_86 : i32
      %sign3A_88 = arith.extui %sign3A_87 : i1 to i32
      %sign3A_89 = arith.subi %sign3A_85, %sign3A_88 : i32
      %ne3A_90 = arith.cmpi ne, %sign3A_82, %sign3A_89 : i32
      %rem3A_91 = arith.remsi %add3A_73, %jit3A_74 : i32
      %ne3A_92 = arith.constant 0 : i32
      %ne3A_93 = arith.cmpi ne, %rem3A_91, %ne3A_92 : i32
      %and3A_94 = arith.andi %ne3A_90, %ne3A_93 : i1
      %sub3A_95 = arith.constant 1 : i32
      %sub3A_96 = arith.subi %div3A_75, %sub3A_95 : i32
      %select_n3A_97 = arith.select %and3A_94, %sub3A_96, %div3A_75 : i32
      %mul3A_98 = arith.constant 46 : i32
      %mul3A_99 = arith.muli %select_n3A_97, %mul3A_98 : i32
      %sub3A_100 = arith.subi %add3A_73, %mul3A_99 : i32
      %dma_wait3A_101 = arith.constant 0 : i32
      %dma_wait3A_102 = tpu.memref_slice %arg7[%while3A_72, %dma_wait3A_101] : memref<8x4096xf32, #tpu.memory_space<vmem>> -> memref<1x4096xf32, #tpu.memory_space<vmem>>
      %dma_wait3A_103 = tpu.memref_squeeze %dma_wait3A_102 : memref<1x4096xf32, #tpu.memory_space<vmem>> -> memref<4096xf32, #tpu.memory_space<vmem>>
      %dma_wait3A_104 = arith.constant 0 : i32
      %dma_wait3A_105 = tpu.memref_slice %arg4[%select_n3A_97, %sub3A_100, %dma_wait3A_104] : memref<3x46x4096xf32, #tpu.memory_space<hbm>> -> memref<1x1x4096xf32, #tpu.memory_space<hbm>>
      %dma_wait3A_106 = tpu.memref_squeeze %dma_wait3A_105 : memref<1x1x4096xf32, #tpu.memory_space<hbm>> -> memref<4096xf32, #tpu.memory_space<hbm>>
      %dma_wait3A_107 = arith.constant 0 : i32
      %dma_wait3A_108 = tpu.memref_slice %arg4[%select_n3A_97, %sub3A_100, %dma_wait3A_107] : memref<3x46x4096xf32, #tpu.memory_space<hbm>> -> memref<1x1x4096xf32, #tpu.memory_space<hbm>>
      %dma_wait3A_109 = tpu.memref_squeeze %dma_wait3A_108 : memref<1x1x4096xf32, #tpu.memory_space<hbm>> -> memref<4096xf32, #tpu.memory_space<hbm>>
      %dma_wait3A_110 = arith.constant 0 : i32
      %dma_wait3A_111 = tpu.memref_slice %arg7[%while3A_72, %dma_wait3A_110] : memref<8x4096xf32, #tpu.memory_space<vmem>> -> memref<1x4096xf32, #tpu.memory_space<vmem>>
      %dma_wait3A_112 = tpu.memref_squeeze %dma_wait3A_111 : memref<1x4096xf32, #tpu.memory_space<vmem>> -> memref<4096xf32, #tpu.memory_space<vmem>>
      tpu.wait_dma2 semaphore(%arg9 : memref<!tpu.dma_semaphore, #tpu.memory_space<semaphore_mem>>) src(%dma_wait3A_112 : memref<4096xf32, #tpu.memory_space<vmem>>) dst(%dma_wait3A_109 : memref<4096xf32, #tpu.memory_space<hbm>>)
    }
    %while3A_71 = arith.constant 1 : i32
    scf.for %while3A_72 = %while3A_69 to %while3A_65 step %while3A_71  : i32 {
      %add3A_73 = arith.addi %add3A_4, %while3A_72 : i32
      %jit3A_74 = arith.constant 46 : i32
      %div3A_75 = arith.divsi %add3A_73, %jit3A_74 : i32
      %sign3A_76 = arith.constant 0 : i32
      %sign3A_77 = arith.cmpi sgt, %add3A_73, %sign3A_76 : i32
      %sign3A_78 = arith.extui %sign3A_77 : i1 to i32
      %sign3A_79 = arith.constant 0 : i32
      %sign3A_80 = arith.cmpi slt, %add3A_73, %sign3A_79 : i32
      %sign3A_81 = arith.extui %sign3A_80 : i1 to i32
      %sign3A_82 = arith.subi %sign3A_78, %sign3A_81 : i32
      %sign3A_83 = arith.constant 0 : i32
      %sign3A_84 = arith.cmpi sgt, %jit3A_74, %sign3A_83 : i32
      %sign3A_85 = arith.extui %sign3A_84 : i1 to i32
      %sign3A_86 = arith.constant 0 : i32
      %sign3A_87 = arith.cmpi slt, %jit3A_74, %sign3A_86 : i32
      %sign3A_88 = arith.extui %sign3A_87 : i1 to i32
      %sign3A_89 = arith.subi %sign3A_85, %sign3A_88 : i32
      %ne3A_90 = arith.cmpi ne, %sign3A_82, %sign3A_89 : i32
      %rem3A_91 = arith.remsi %add3A_73, %jit3A_74 : i32
      %ne3A_92 = arith.constant 0 : i32
      %ne3A_93 = arith.cmpi ne, %rem3A_91, %ne3A_92 : i32
      %and3A_94 = arith.andi %ne3A_90, %ne3A_93 : i1
      %sub3A_95 = arith.constant 1 : i32
      %sub3A_96 = arith.subi %div3A_75, %sub3A_95 : i32
      %select_n3A_97 = arith.select %and3A_94, %sub3A_96, %div3A_75 : i32
      %mul3A_98 = arith.constant 46 : i32
      %mul3A_99 = arith.muli %select_n3A_97, %mul3A_98 : i32
      %sub3A_100 = arith.subi %add3A_73, %mul3A_99 : i32
      %dma_wait3A_101 = arith.constant 0 : i32
      %dma_wait3A_102 = tpu.memref_slice %arg7[%while3A_72, %dma_wait3A_101] : memref<8x4096xf32, #tpu.memory_space<vmem>> -> memref<1x4096xf32, #tpu.memory_space<vmem>>
      %dma_wait3A_103 = tpu.memref_squeeze %dma_wait3A_102 : memref<1x4096xf32, #tpu.memory_space<vmem>> -> memref<4096xf32, #tpu.memory_space<vmem>>
      %dma_wait3A_104 = arith.constant 0 : i32
      %dma_wait3A_105 = tpu.memref_slice %arg4[%select_n3A_97, %sub3A_100, %dma_wait3A_104] : memref<3x46x4096xf32, #tpu.memory_space<hbm>> -> memref<1x1x4096xf32, #tpu.memory_space<hbm>>
      %dma_wait3A_106 = tpu.memref_squeeze %dma_wait3A_105 : memref<1x1x4096xf32, #tpu.memory_space<hbm>> -> memref<4096xf32, #tpu.memory_space<hbm>>
      %dma_wait3A_107 = arith.constant 0 : i32
      %dma_wait3A_108 = tpu.memref_slice %arg4[%select_n3A_97, %sub3A_100, %dma_wait3A_107] : memref<3x46x4096xf32, #tpu.memory_space<hbm>> -> memref<1x1x4096xf32, #tpu.memory_space<hbm>>
      %dma_wait3A_109 = tpu.memref_squeeze %dma_wait3A_108 : memref<1x1x4096xf32, #tpu.memory_space<hbm>> -> memref<4096xf32, #tpu.memory_space<hbm>>
      %dma_wait3A_110 = arith.constant 0 : i32
      %dma_wait3A_111 = tpu.memref_slice %arg7[%while3A_72, %dma_wait3A_110] : memref<8x4096xf32, #tpu.memory_space<vmem>> -> memref<1x4096xf32, #tpu.memory_space<vmem>>
      %dma_wait3A_112 = tpu.memref_squeeze %dma_wait3A_111 : memref<1x4096xf32, #tpu.memory_space<vmem>> -> memref<4096xf32, #tpu.memory_space<vmem>>
      tpu.wait_dma2 semaphore(%arg9 : memref<!tpu.dma_semaphore, #tpu.memory_space<semaphore_mem>>) src(%dma_wait3A_112 : memref<4096xf32, #tpu.memory_space<vmem>>) dst(%dma_wait3A_109 : memref<4096xf32, #tpu.memory_space<hbm>>)
    }
    return
  }
}

</mosaic_0001>

<sc_bundles>
// kernel: kernel.3.cloned.1.call-start
scs
__scs_entry_jumppad:
0x0: {  	(pc) =	sbr.rel $0x88, $3  }
0x1: {  	(tag) =	ssettag $0x0;
	lr =	simm.s32 $0x1  }
0x2: {  	[smem:$0x3F9F] =	sst lr;
	_ =	strace $0xD0000000  }
0x3: {  	_ = 	snop  }
0x4: {  	_ = 	snop  }
0x5: {  	_ = 	snop  }
0x6: {  	_ = 	snop  }
0x7: {  	_ = 	snop  }
__scs_overlays_trampoline_lowered:
0x8: {  	[smem:$0x3FAE] =	sst s0  }
0x9: {  	[smem:$0x3FAF] =	sst s1  }
0xa: {  	[smem:$0x3FB0] =	sst s2  }
0xb: {  	[smem:$0x3FB1] =	sst s3  }
0xc: {  	[smem:$0x3FB2] =	sst s4  }
0xd: {  	[smem:$0x3FB3] =	sst s5  }
0xe: {  	[smem:$0x3FB4] =	sst s6  }
0xf: {  	[smem:$0x3FB5] =	sst s7  }
0x10: {  	[smem:$0x3FB6] =	sst s8  }
0x11: {  	[smem:$0x3FB7] =	sst s9;
	s0 =	simm.s32 @!p0 $0x0  }
0x12: {  	s1 =	sld [smem:$0x3F9D];
	s0 =	simm.s32 @p0 $0x1  }
0x13: {  	[smem:$0x3FB8] =	sst s0;
	s0 =	simm.s32 @!p1 $0x0  }
0x14: {  	s2 =	sld [smem:$0x3F9C];
	s0 =	simm.s32 @p1 $0x1  }
0x15: {  	[smem:$0x3FB9] =	sst s0;
	s0 =	simm.s32 @!p2 $0x0  }
0x16: {  	s3 =	sld [smem:$0x3FDB];
	s0 =	simm.s32 @p2 $0x1  }
0x17: {  	s4 =	simm.s32 $0x1BF5;
	[smem:$0x3FBB] =	sst s0  }
0x18: {  	s0 =	sld [smem:$0x3F9E];
	_ =	swait.ge [sflag:s4], $0x0  }
0x19: {  	s7 =	sld [smem:$0x3F9F]  }
0x1a: {  	s8 =	sadd.s32 $0xFFFFE003, lr  }
0x1b: {  	s9 =	sadd.s32 $0xFFFFFEF7, lr;
	s5 =	simm.s32 $0xFFFFFFFF;
	p2 =	slt.u32 s8, $0xFFFFF086  }
0x1c: {  	p1 =	slt.u32 s9, $0xF7A;
	s5 =	simm.s32 @!p2 $0x0  }
0x1d: {  	s5 =	simm.s32 @p1 $0x1;
	p0 =	seq.s32 s7, s2  }
0x1e: {  	s7 =	smul.u32 @!p0 $0xF7A, s2;
	p2 =	seq.s32 @!p0 s5, $0x0  }
0x1f: {  	s9 =	smul.u32 $0xF7A, s1;
	s8 =	simm.s32 @!p0 $0x1BF5;
	p2 =	por !p2, p0  }
0x20: {  	[sflag:s8] =	ssyncset.s32 @!p0 $0xFFFFF086;
	s6 =	sadd.s32 @!p0 s3, s7;
	s7 =	simm.s32 @!p0 $0x108  }
0x21: {  	s3 =	sadd.s32 s3, s9;
	s6 =	sadd.s32 @!p0 $0x88, s6;
	s7 =	simm.s32 @p2 $0x1082  }
0x22: {  	[simem:s7], [sflag:s8] =	dma.local @!p0 [hbm:s6], $0xF7A  }
0x23: {  	s9 =	sor.u32 $0xD0000000, s2;
	s6 =	simm.s32 $0x108;
	_ =	swait.ge @!p0 [sflag:s8], $0x0  }
0x24: {  	s3 =	sadd.s32 $0x88, s3;
	s6 =	simm.s32 @!p1 $0x1082;
	[sflag:s4] =	ssyncset.s32 $0xFFFFF086  }
0x25: {  	[simem:s6], [sflag:s4] =	dma.local [hbm:s3], $0xF7A  }
0x26: {  	[smem:$0x3F9F] =	sst s1;
	(tag) =	ssettag s2;
	_ =	strace s9  }
0x27: {  	s1 =	sld [smem:$0x3FAF]  }
0x28: {  	s2 =	sld [smem:$0x3FB0]  }
0x29: {  	s4 =	sld [smem:$0x3FB2]  }
0x2a: {  	p0 =	seq.s32 s5, $0x0;
	s5 =	sld [smem:$0x3FB3]  }
0x2b: {  	s6 =	sld [smem:$0x3FB4]  }
0x2c: {  	s7 =	sld [smem:$0x3FB5]  }
0x2d: {  	s3 =	simm.s32 $0x108;
	s8 =	sld [smem:$0x3FB6]  }
0x2e: {  	s3 =	simm.s32 @!p0 $0x1082;
	s9 =	sld [smem:$0x3FB7]  }
0x2f: {  	lr =	sadd.s32 s0, s3;
	s0 =	sld [smem:$0x3FAE]  }
0x30: {  	s3 =	sld [smem:$0x3FB1]  }
0x31: {  	[smem:$0x3FBA] =	sst s10  }
0x32: {  	s10 =	sld [smem:$0x3FB8];
	_ =	sdelay $0x3  }
0x33: {  	p0 =	seq.s32 s10, $0x1;
	s10 =	sld [smem:$0x3FBA];
	_ =	sdelay $0x3  }
0x34: {  	[smem:$0x3FBA] =	sst s10  }
0x35: {  	s10 =	sld [smem:$0x3FB9];
	_ =	sdelay $0x3  }
0x36: {  	p1 =	seq.s32 s10, $0x1;
	s10 =	sld [smem:$0x3FBA];
	_ =	sdelay $0x3  }
0x37: {  	[smem:$0x3FBA] =	sst s10  }
0x38: {  	s10 =	sld [smem:$0x3FBB]  }
0x39: {  	_ = 	snop;
	(pc) =	sbr.ind lr, $3  }
0x3a: {  	_ = 	snop  }
0x3b: {  	_ = 	snop  }
0x3c: {  	p2 =	seq.s32 s10, $0x1;
	s10 =	sld [smem:$0x3FBA]  }
0x3d: {  	_ =	shalt  }
0x3e: {  	_ =	shalt  }
0x3f: {  	_ =	shalt  }
0x40: {  	_ =	shalt  }
0x41: {  	_ =	shalt  }
0x42: {  	_ =	shalt  }
0x43: {  	_ =	shalt  }
0x44: {  	_ =	shalt  }
0x45: {  	_ =	shalt  }
0x46: {  	_ =	shalt  }
0x47: {  	_ =	shalt  }
0x48: {  	_ =	shalt  }
0x49: {  	_ =	shalt  }
0x4a: {  	_ =	shalt  }
0x4b: {  	_ =	shalt  }
0x4c: {  	_ =	shalt  }
0x4d: {  	_ =	shalt  }
0x4e: {  	_ =	shalt  }
0x4f: {  	_ =	shalt  }
0x50: {  	_ =	shalt  }
0x51: {  	_ =	shalt  }
0x52: {  	_ =	shalt  }
0x53: {  	_ =	shalt  }
0x54: {  	_ =	shalt  }
0x55: {  	_ =	shalt  }
0x56: {  	_ =	shalt  }
0x57: {  	_ =	shalt  }
0x58: {  	_ =	shalt  }
0x59: {  	_ =	shalt  }
0x5a: {  	_ =	shalt  }
0x5b: {  	_ =	shalt  }
0x5c: {  	_ =	shalt  }
0x5d: {  	_ =	shalt  }
0x5e: {  	_ =	shalt  }
0x5f: {  	_ =	shalt  }
0x60: {  	_ =	shalt  }
0x61: {  	_ =	shalt  }
0x62: {  	_ =	shalt  }
0x63: {  	_ =	shalt  }
0x64: {  	_ =	shalt  }
0x65: {  	_ =	shalt  }
0x66: {  	_ =	shalt  }
0x67: {  	_ =	shalt  }
0x68: {  	_ =	shalt  }
0x69: {  	_ =	shalt  }
0x6a: {  	_ =	shalt  }
0x6b: {  	_ =	shalt  }
0x6c: {  	_ =	shalt  }
0x6d: {  	_ =	shalt  }
0x6e: {  	_ =	shalt  }
0x6f: {  	_ =	shalt  }
0x70: {  	_ =	shalt  }
0x71: {  	_ =	shalt  }
0x72: {  	_ =	shalt  }
0x73: {  	_ =	shalt  }
0x74: {  	_ =	shalt  }
0x75: {  	_ =	shalt  }
0x76: {  	_ =	shalt  }
0x77: {  	_ =	shalt  }
0x78: {  	_ =	shalt  }
0x79: {  	_ =	shalt  }
0x7a: {  	_ =	shalt  }
0x7b: {  	_ =	shalt  }
0x7c: {  	_ =	shalt  }
0x7d: {  	_ =	shalt  }
0x7e: {  	_ =	shalt  }
0x7f: {  	_ =	shalt  }
0x80: {  	_ =	shalt  }
0x81: {  	_ =	shalt  }
0x82: {  	_ =	shalt  }
0x83: {  	_ =	shalt  }
0x84: {  	_ =	shalt  }
0x85: {  	_ =	shalt  }
0x86: {  	_ =	shalt  }
0x87: {  	_ =	shalt  }
.Lfunc_end0:
.L_simem_size_0:
called_computation_lowered:
.L_overlay_start_0:
0x88: {  	s2 =	sld [smem:$0x3FD9]  }
0x89: {  	s3 =	sld [smem:$0x3FFE];
	_ =	sdelay $0x1  }
0x8a: {  	s1 =	srdreg.scid  }
0x8b: {  	s0 =	sand.u32 $0x1, s1  }
0x8c: {  	s18 =	sshll.u32 s0, $0xA;
	s2 =	sadd.s32 s3, s2  }
0x8d: {  	s2 =	sadd.s32 s2, s18  }
0x8e: {  	[smem:$0x3FC6] =	sst s2  }
0x8f: {  	_ = 	snop  }
0x90: {  	s2 =	sld [smem:$0x3FC9]  }
0x91: {  	s19 =	sld [smem:$0x3FC8]  }
0x92: {  	s4 =	sld [smem:$0x3FD0];
	(tm) =	ssettm $0x1  }
0x93: {  	s5 =	sld [smem:$0x3FFB];
	_ =	sdelay $0x3  }
0x94: {  	_ =	strace s5  }
0x95: {  	s5 =	sld [smem:$0x3FFC];
	_ =	sdelay $0x3  }
0x96: {  	_ =	strace s5  }
0x97: {  	s5 =	sld [smem:$0x3FFD];
	_ =	sdelay $0x3  }
0x98: {  	_ =	strace s5  }
0x99: {  	_ =	strace $0x8FFFFFFF  }
0x9a: {  	s20 =	sld [smem:$0x3FDB];
	_ =	sdelay $0x1  }
0x9b: {  	s6 =	simm.s32 $_scs_section_size  }
0x9c: {  	s7 =	simm.s32 $_size__tile_overlayer_lowered;
	s8 =	simm.s32 $_tile_overlayer_lowered  }
0x9d: {  	s23 =	simm.s32 $0x1BFF;
	s22 =	sshll.u32 s8, $0x1;
	s5 =	sadd.s32 s6, s20  }
0x9e: {  	s9 =	simm.s32 $0x0;
	s21 =	sshll.u32 s7, $0x1;
	s7 =	sadd.s32 s22, s5  }
0x9f: {  	[timem:s9], [sflag:s23] =	dma.local [hbm:s7], s21  }
0xa0: {  	_ =	swait.ge [sflag:s23], s21  }
0xa1: {  	s6 =	ssub.s32 $0x0, s21;
	[sflag:s23] =	ssyncset.done $0x0  }
0xa2: {  	[sflag:s23] =	ssyncadd.s32 s6;
	_ =	sdelay $0x1  }
0xa3: {  	s24 =	simm.s32 $0x1B8B  }
0xa4: {  	_ =	swait.ge [sflag:s24], $0x1  }
0xa5: {  	[sflag:s24] =	ssyncset.done $0x0  }
0xa6: {  	s25 =	simm.s32 $0x1B8E;
	[sflag:s24] =	ssyncadd.s32 $0xFFFFFFFF  }
0xa7: {  	s26 =	simm.s32 $execute0_lowered;
	[smem:$0x3FD2] =	sst s25  }
0xa8: {  	s6 =	sshll.u32 s26, $0x1;
	_ =	strace $0x80000046;
	[dreg:$0x1] =	wrdreg $0xFFFFFFFF  }
0xa9: {  	s28 =	simm.s32 $_size_execute0_lowered;
	s5 =	sadd.s32 s5, s6;
	[dreg:$0x0] =	wrdreg $0x0  }
0xaa: {  	s6 =	sshll.u32 s28, $0x1;
	[dreg:$0x2] =	wrdreg s5  }
0xab: {  	[dreg:$0x3] =	wrdreg s6  }
0xac: {  	[dreg:$0x4] =	wrdreg $0xC0  }
0xad: {  	_ =	task [dreg:s9], $0x5FFFF  }
0xae: {  	[dreg:$0x1] =	wrdreg $0xFFFFFFFF  }
0xaf: {  	[dreg:$0x0] =	wrdreg $0x60  }
0xb0: {  	[dreg:$0x2] =	wrdreg s2  }
0xb1: {  	[dreg:$0x3] =	wrdreg s19  }
0xb2: {  	[dreg:$0x4] =	wrdreg s4  }
0xb3: {  	[dreg:$0x5] =	wrdreg $0x9  }
0xb4: {  	_ =	task.clear_ibuf [dreg:s9], $0x6FFFF;
	_ =	strace $0x90000046  }
0xb5: {  	s29 =	simm.s32 $0x9;
	_ =	strace $0x80000048  }
0xb6: {  	_ =	swait.ge [sflag:s29], $0x1  }
0xb7: {  	[sflag:s29] =	ssyncadd.s32 $0xFFFFFFFF  }
0xb8: {  	_ =	strace $0x90000048  }
0xb9: {  	_ =	sfence  }
0xba: {  	s30 =	sld [smem:$0x0];
	_ =	sdelay $0x2  }
0xbb: {  	s31 =	sshll.u32 s1, $0xD;
	s1 =	sshrl.u32 s1, $0x2  }
0xbc: {  	s3 =	sand.u32 $0x4000, s31;
	s1 =	sadd.s32 s1, s30  }
0xbd: {  	s0 =	sor.u32 s3, s0;
	s1 =	sshll.u32 s1, $0x11  }
0xbe: {  	s0 =	sor.u32 s1, s0  }
0xbf: {  	s0 =	sadd.s32 $0x8F2B, s0  }
0xc0: {  	[sflag:s0] =	ssyncadd.remote.s32 $0x1  }
0xc1: {  	_ =	sfence.sel $0xFFFF  }
0xc2: {  	[dreg:$0x0] =	wrdreg $0xFFFFFFFF;
	(pc) =	sbr.abs _section_cstart, $3  }
0xc3: {  	[dreg:$0x1] =	wrdreg $0xFFFFFFFF  }
0xc4: {  	_ =	task.clear_ibuf [dreg:s9], $0x2FFFF;
	_ =	strace $0x9FFFFFFF  }
0xc5: {  	(tm) =	ssettm $0x7FFFFFFF  }
tec
execute0_lowered:
.L_overlay_start_1:
0x0: {  	(tag) =	ssettag $0x1  }
0x1: {  	s0 =	srdreg.scid;
	s4 =	stileid.u32  }
0x2: {  	s0 =	sand.u32 $0x1, s0;
	s1 =	sshll.u32 s4, $0x1  }
0x3: {  	s1 =	sor.u32 s0, s1  }
0x4: {  	s2 =	sshll.u32 s1, $0x2;
	s1 =	smin.u32 s1, $0xA  }
0x5: {  	s3 =	sadd.s32 s1, s2  }
0x6: {  	v0 =	vmov s3  }
0x7: {  	v1 =	vbroadcast v0, $0x0  }
0x8: {  	v0 =	vlaneseq.u32  }
0x9: {  	v1 =	vadd.s32 v0, v1  }
0xa: {  	v2 =	vmin.u32 v1, $0x89  }
0xb: {  	s8 =	rddreg [dreg:$0x0];
	v3 =	vmulhi.u32 $0x590B217, v2  }
0xc: {  	s5 =	rddreg [dreg:$0x2]  }
0xd: {  	s6 =	simm.s32 $0x0;
	s7 =	simm.s32 $0x5;
	s24 =	simm.s32 $0x3;
	v4 =	vmul.u32 $0xD2, v3  }
0xe: {  	s25 =	simm.s32 $0x0;
	[smem:$0x7FF] =	sst s6;
	p0 =	slt.u32 s4, $0x5;
	v5 =	vsub.s32 $0x0, v2  }
0xf: {  	s31 =	sadd.s32 $0x100, s8;
	s9 =	sadd.s32 $0x200, s8;
	s10 =	sadd.s32 $0x300, s8;
	v5 =	vand.u32 $0xFF, v5;
	v4 =	vand.u32 $0xFF, v4  }
0x10: {  	s11 =	sadd.s32 $0x400, s8;
	s12 =	sadd.s32 $0x500, s8;
	s13 =	sadd.s32 $0x600, s8;
	vm0 =	veq.s32 v1, $0x0;
	vm1 =	vne.s32 v4, v5  }
0x11: {  	s14 =	sadd.s32 $0x700, s8;
	s15 =	sadd.s32 $0x800, s8;
	s16 =	sadd.s32 $0x900, s8;
	v1 =	vimm.s32 $0x0;
	vm0 =	vmand vm0, vm1  }
0x12: {  	s17 =	sadd.s32 $0xA00, s8;
	s18 =	sadd.s32 $0xB00, s8;
	s19 =	sadd.s32 $0xC00, s8;
	v1 =	vsel vm0, $0xFFFFFFFF, v1  }
0x13: {  	s20 =	sadd.s32 $0xD00, s8;
	s21 =	sadd.s32 $0xE00, s8;
	s0 =	ssub.s32 $0x2, s0;
	v3 =	vadd.s32 v3, v1  }
0x14: {  	s22 =	sadd.s32 $0xF00, s8;
	s4 =	simm.s32 $0x2;
	s30 =	sshrl.u32 s0, $0x1;
	v4 =	vshrl.u32 v0, $0x3;
	v1 =	vmul.u32 $0xFFFFFFD2, v3  }
0x15: {  	_ =	strace $0x80000047;
	s7 =	simm.s32 @!p0 $0x4;
	s0 =	ssub.s32 s0, s30;
	v4 =	vmul.u32 $0x8, v4;
	vm0 =	vmmov $0xffff  }
0x16: {  	[dreg:$0x4] =	wrdreg s31;
	s23 =	smax.u32 s0, $0x1;
	s0 =	simm.s32 $0x1;
	v1 =	vadd.s32 v2, v1;
	v2 =	vmul.u32 $0xFC8, v3;
	v3 =	vand.u32 $0x7, v0  }
.LBB2_1:
0x17: {  	s1 =	rddreg [dreg:$0x1]  }
0x18: {  	[tilespmem:s6], [sflag:$0x3] =	stream.linear.gather [hbm4b:s1+s6], $0x80, $0x38;
	[tilespmem:$0x8100] =	vst v63  }
0x19: {  	_ =	swait.ge [sflag:s24], $0x80  }
0x1a: {  	[sflag:s24] =	ssyncset.done $0x0  }
0x1b: {  	[sflag:s24] =	ssyncadd.s32 $0xFFFFFF80  }
0x1c: {  	v5 =	vld.idx.msk [tilespmem:v1+s6+$0x0], $0xffff;
	_ =	sdelay $0x4  }
0x1d: {  	s31 =	simm.s32 $0x80;
	v5 =	vadd.s32 v2, v5  }
0x1e: {  	[tilespmem:v0+s31+$0x0] =	vst.idx.msk $0xff, v5  }
0x1f: {  	v5 =	vld.msk [tilespmem:$0x80], $0xff;
	_ =	sdelay $0x4  }
0x20: {  	v6 =	vshll.u32 v5, $0x5  }
0x21: {  	v5 =	vand.u32 $0x7, v5;
	v6 =	vand.u32 $0xFFFFFF00, v6  }
0x22: {  	v5 =	vor.u32 v5, v6  }
0x23: {  	v5 =	vperm.xlane v5, v3;
	_ =	sdelay $0x1  }
0x24: {  	v5 =	vadd.s32 v4, v5;
	_ =	sdelay $0x3  }
0x25: {  	s26 =	simm.s32 $0x100;
	s2 =	rddreg [dreg:$0x0]  }
0x26: {  	[tilespmem:s26], [sflag:$0x1] =	stream.indirect_vreg.gather [hbm4b:s2+s6], $0x80, v5, vm0, $0xb8;
	[tilespmem:$0x8100] =	vst v63  }
0x27: {  	s8 =	rddreg [dreg:$0x4];
	s2 =	simm.s32 $0x900  }
0x28: {  	[tilespmem:s2], [sflag:$0x1] =	stream.indirect_vreg.gather [hbm4b:s8+s6], $0x80, v5, vm0, $0xb8;
	[tilespmem:$0x8100] =	vst v63  }
0x29: {  	s30 =	simm.s32 $0x1100  }
0x2a: {  	[tilespmem:s30], [sflag:$0x1] =	stream.indirect_vreg.gather [hbm4b:s9+s6], $0x80, v5, vm0, $0xb8;
	[tilespmem:$0x8100] =	vst v63  }
0x2b: {  	s31 =	simm.s32 $0x1900  }
0x2c: {  	[tilespmem:s31], [sflag:$0x1] =	stream.indirect_vreg.gather [hbm4b:s10+s6], $0x80, v5, vm0, $0xb8;
	[tilespmem:$0x8100] =	vst v63  }
0x2d: {  	s2 =	simm.s32 $0x2100  }
0x2e: {  	[tilespmem:s2], [sflag:$0x1] =	stream.indirect_vreg.gather [hbm4b:s11+s6], $0x80, v5, vm0, $0xb8;
	[tilespmem:$0x8100] =	vst v63  }
0x2f: {  	s8 =	simm.s32 $0x2900  }
0x30: {  	[tilespmem:s8], [sflag:$0x1] =	stream.indirect_vreg.gather [hbm4b:s12+s6], $0x80, v5, vm0, $0xb8;
	[tilespmem:$0x8100] =	vst v63  }
0x31: {  	s30 =	simm.s32 $0x3100  }
0x32: {  	[tilespmem:s30], [sflag:$0x1] =	stream.indirect_vreg.gather [hbm4b:s13+s6], $0x80, v5, vm0, $0xb8;
	[tilespmem:$0x8100] =	vst v63  }
0x33: {  	s31 =	simm.s32 $0x3900  }
0x34: {  	[tilespmem:s31], [sflag:$0x1] =	stream.indirect_vreg.gather [hbm4b:s14+s6], $0x80, v5, vm0, $0xb8;
	[tilespmem:$0x8100] =	vst v63  }
0x35: {  	s2 =	simm.s32 $0x4100  }
0x36: {  	[tilespmem:s2], [sflag:$0x1] =	stream.indirect_vreg.gather [hbm4b:s15+s6], $0x80, v5, vm0, $0xb8;
	[tilespmem:$0x8100] =	vst v63  }
0x37: {  	s8 =	simm.s32 $0x4900  }
0x38: {  	[tilespmem:s8], [sflag:$0x1] =	stream.indirect_vreg.gather [hbm4b:s16+s6], $0x80, v5, vm0, $0xb8;
	[tilespmem:$0x8100] =	vst v63  }
0x39: {  	s30 =	simm.s32 $0x5100  }
0x3a: {  	[tilespmem:s30], [sflag:$0x1] =	stream.indirect_vreg.gather [hbm4b:s17+s6], $0x80, v5, vm0, $0xb8;
	[tilespmem:$0x8100] =	vst v63  }
0x3b: {  	s31 =	simm.s32 $0x5900  }
0x3c: {  	[tilespmem:s31], [sflag:$0x1] =	stream.indirect_vreg.gather [hbm4b:s18+s6], $0x80, v5, vm0, $0xb8;
	[tilespmem:$0x8100] =	vst v63  }
0x3d: {  	s2 =	simm.s32 $0x6100  }
0x3e: {  	[tilespmem:s2], [sflag:$0x1] =	stream.indirect_vreg.gather [hbm4b:s19+s6], $0x80, v5, vm0, $0xb8;
	[tilespmem:$0x8100] =	vst v63  }
0x3f: {  	s8 =	simm.s32 $0x6900  }
0x40: {  	[tilespmem:s8], [sflag:$0x1] =	stream.indirect_vreg.gather [hbm4b:s20+s6], $0x80, v5, vm0, $0xb8;
	[tilespmem:$0x8100] =	vst v63  }
0x41: {  	s30 =	simm.s32 $0x7100  }
0x42: {  	[tilespmem:s30], [sflag:$0x1] =	stream.indirect_vreg.gather [hbm4b:s21+s6], $0x80, v5, vm0, $0xb8;
	[tilespmem:$0x8100] =	vst v63  }
0x43: {  	s31 =	simm.s32 $0x7900  }
0x44: {  	[tilespmem:s31], [sflag:$0x1] =	stream.indirect_vreg.gather [hbm4b:s22+s6], $0x80, v5, vm0, $0xb8;
	[tilespmem:$0x8100] =	vst v63  }
0x45: {  	_ =	swait.ge [sflag:s0], $0x8000  }
0x46: {  	[sflag:s0] =	ssyncset.done $0x0  }
0x47: {  	s28 =	simm.s32 $0x0;
	s29 =	simm.s32 $0x0;
	[sflag:s0] =	ssyncadd.s32 $0xFFFF8000  }
.LBB2_2:
0x48: {  	s1 =	sadd.s32 s3, s29  }
0x49: {  	s2 =	smulhi.u32 $0xB21642C9, s1;
	_ =	sdelay $0x1  }
0x4a: {  	s2 =	sshrl.u32 s2, $0x5  }
0x4b: {  	s8 =	smul.u32 $0xFFFFFFD2, s2;
	_ =	sdelay $0x1  }
0x4c: {  	s1 =	sadd.s32 s1, s8  }
0x4d: {  	s2 =	smul.u32 $0x30000, s2;
	s8 =	sshll.u32 s1, $0xC  }
0x4e: {  	s1 =	sshll.u32 s1, $0x7;
	s8 =	sand.u32 $0xFFFF8000, s8  }
0x4f: {  	s1 =	sand.u32 $0x380, s1;
	s2 =	sadd.s32 s2, s8  }
0x50: {  	s1 =	sor.u32 s1, s2  }
0x51: {  	s8 =	sand.u32 $0x3FFF8000, s28;
	s1 =	sshrl.u32 s1, $0x3  }
0x52: {  	s30 =	sadd.s32 s8, s26;
	s2 =	sadd.s32 s5, s1  }
0x53: {  	s31 =	simm.s32 $0x80;
	s1 =	sadd.s32 $0x400, s30;
	s8 =	sadd.s32 $0x0, s2  }
.LBB2_3:
0x54: {  	[hbm4b:s8+s6] =	stream.linear.scatter [tilespmem:s30], [sflag:$0x2], $0x80, $0x38;
	[tilespmem:$0x8100] =	vst v63  }
0x55: {  	s8 =	smov.u32 s31;
	s30 =	smov.u32 s1;
	p0 =	sne.s32 s31, $0xF80  }
.Ltmp0:
0x56: {  	s31 =	sadd.s32 $0x80, s31;
	(pc) =	sbr.rel @p0 .LBB2_3-.Ltmp0, $2  }
0x57: {  	_ =	sdelay $0x2  }
0x58: {  	s1 =	sadd.s32 $0x400, s1;
	s8 =	sadd.s32 s8, s2  }
0x59: {  	s29 =	sadd.s32 $0x1, s29  }
0x5a: {  	p0 =	sne.s32 s29, s7  }
.Ltmp1:
0x5b: {  	_ = 	snop;
	(pc) =	sbr.rel @p0 .LBB2_2-.Ltmp1, $3  }
0x5c: {  	_ =	sdelay $0x1  }
0x5d: {  	[hbm4b:s8+s6] =	stream.linear.scatter [tilespmem:s30], [sflag:$0x2], $0x80, $0x38;
	[tilespmem:$0x8100] =	vst v63  }
0x5e: {  	s26 =	sadd.s32 $0x80, s26;
	s28 =	sadd.s32 $0x1000, s28  }
0x5f: {  	p0 =	sne.s32 s7, $0x1  }
.Ltmp2:
0x60: {  	_ = 	snop;
	(pc) =	sbr.rel @!p0 .LBB2_7-.Ltmp2, $3  }
0x61: {  	_ =	sdelay $0x1  }
0x62: {  	_ =	swait.ge [sflag:s4], $0x1000  }
0x63: {  	s2 =	sadd.s32 $0xFFFFFFFF, s7;
	[sflag:s4] =	ssyncset.done $0x0  }
.LBB2_6:
0x64: {  	p0 =	sne.s32 s2, $0x1;
	s2 =	sadd.s32 $0xFFFFFFFF, s2;
	[sflag:s4] =	ssyncadd.s32 $0xFFFFF000  }
.Ltmp3:
0x65: {  	(pc) =	sbr.rel @p0 .LBB2_6-.Ltmp3, $3  }
0x66: {  	_ =	sdelay $0x1  }
0x67: {  	_ =	swait.ge [sflag:s4], $0x1000  }
0x68: {  	[sflag:s4] =	ssyncset.done $0x0  }
.LBB2_7:
0x69: {  	s25 =	sadd.s32 $0x1, s25  }
0x6a: {  	p0 =	sne.s32 s25, s23  }
.Ltmp4:
0x6b: {  	_ = 	snop;
	(pc) =	sbr.rel @p0 .LBB2_1-.Ltmp4, $2  }
0x6c: {  	_ =	sdelay $0x2  }
0x6d: {  	[sflag:s4] =	ssyncadd.s32 $0xFFFFF000  }
0x6e: {  	_ =	sfence.sel $0x180000  }
0x6f: {  	[bflag:$0x0] =	sbarrier.arrive $0xFFFF  }
0x70: {  	_ =	strace $0x90000047  }
0x71: {  	s0 =	stileid.u32;
	[bflag:$0x2] =	sbarrier.arrive $0xFFFF  }
0x72: {  	p0 =	sne.s32 s0, $0x0;
	s0 =	rddreg [dreg:$0x3]  }
0x73: {  	s0 =	sadd.s32 @!p0 $0x100000, s0  }
0x74: {  	[sflag:s0] =	ssyncadd.tile.s32 @!p0 $0x1;
	_ =	shalt  }
.Lfunc_end2:
_tile_overlayer_lowered:
.L_overlay_start_2:
0x75: {  	(tag) =	ssettag $0x2  }
0x76: {  	s0 =	rddreg [dreg:$0x0];
	s2 =	stileid.u32  }
0x77: {  	s1 =	rddreg [dreg:$0x1];
	p0 =	sne.s32 s2, $0x0  }
0x78: {  	s3 =	rddreg [dreg:$0x2];
	[bflag:$0x3] =	sbarrier.arrive $0xFFFF;
	s2 =	simm.s32 @!p0 $0x1C03  }
0x79: {  	[timem:s3], [sflag:s2] =	dma.local @!p0 [hbm:s0], s1  }
0x7a: {  	s0 =	simm.s32 @!p0 $0x3  }
0x7b: {  	_ =	swait.ge @!p0 [sflag:s0], s1  }
0x7c: {  	s1 =	ssub.s32 @!p0 $0x0, s1;
	[sflag:s0] =	ssyncset.done @!p0 $0x0  }
0x7d: {  	[sflag:s0] =	ssyncadd.s32 @!p0 s1  }
0x7e: {  	[bflag:$0x3] =	sbarrier.arrive $0xFFFF  }
0x7f: {  	_ =	shalt  }

</sc_bundles>
